<compile_context>
chip_gen: v7x
topology: tpu7x:2x2x1
jax: 0.10.2.dev20260603
libtpu: 0.0.44.dev20260713+nightly
codegen_flags: <defaults>
</compile_context>

<pallas_src>
import functools

import jax
import jax.numpy as jnp
from jax import lax
from jax.experimental import pallas as pl
from jax.experimental.pallas import tpu as pltpu
from jax.experimental.pallas import tpu_sc as plsc

_B = 1024
_F = 100
_D = 16
_V = 100
_TW = 64

_NC = 2
_NS = 16
_NW = _NC * _NS
_BPW = _B // _NW


def _sc_prep(x_hbm, ct_hbm, hc_hbm,
             idx_v, rows_v, acc_v, acc2_v, cc_v, sem):
    wid = lax.axis_index("s") * _NC + lax.axis_index("c")
    base = wid * _BPW

    def row_body(r, carry):
        pltpu.sync_copy(x_hbm.at[base + r], idx_v)
        pltpu.async_copy(ct_hbm.at[idx_v], rows_v, sem).wait()
        acc_v[...] = jnp.zeros((_D,), jnp.float32)
        acc2_v[...] = jnp.zeros((_D,), jnp.float32)

        def f_body(f, c):
            acc_v[...] = acc_v[...] + rows_v[f, pl.ds(0, _D)]
            acc2_v[...] = acc2_v[...] + rows_v[f, pl.ds(_D, _D)]
            return c

        lax.fori_loop(0, _F, f_body, 0, unroll=False)
        se = acc_v[...]
        cc_v[...] = 0.25 * (se * se) - 0.25 * acc2_v[...]
        pltpu.sync_copy(cc_v, hc_hbm.at[pl.ds((base + r) * _D, _D)])
        return carry

    lax.fori_loop(0, _BPW, row_body, 0, unroll=False)


def _writer_kernel(hc_ref, xt_ref, wcol_ref, out_ref):
    lin = jnp.sum(wcol_ref[...] * xt_ref[...], axis=0, keepdims=True)
    t = hc_ref[...] + 0.5 * lin
    out_ref[...] = 0.5 * jnp.tanh(t) + 0.5


def kernel(x, emb_table, linear_weights):
    xt = x.astype(jnp.float32).T
    wcol = linear_weights.reshape(_F, 1)
    ct = jnp.concatenate(
        [emb_table, emb_table * emb_table,
         jnp.zeros((_V, 128 - 2 * _D), jnp.float32)], axis=1)

    mesh = plsc.VectorSubcoreMesh(core_axis_name="c", subcore_axis_name="s")
    sc_fn = functools.partial(
        pl.kernel,
        mesh=mesh,
        out_type=jax.ShapeDtypeStruct((_B * _D,), jnp.float32),
        scratch_types=[
            pltpu.VMEM((_F,), jnp.int32),
            pltpu.VMEM((_F, 128), jnp.float32),
            pltpu.VMEM((_D,), jnp.float32),
            pltpu.VMEM((_D,), jnp.float32),
            pltpu.VMEM((_D,), jnp.float32),
            pltpu.SemaphoreType.DMA,
        ],
    )(_sc_prep)
    half_cross = sc_fn(x, ct).reshape(_B * _D, 1)

    out2 = pl.pallas_call(
        _writer_kernel,
        grid=(_B // _TW,),
        in_specs=[
            pl.BlockSpec((_TW * _D, 1), lambda i: (i, 0)),
            pl.BlockSpec((_F, _B), lambda i: (0, 0)),
            pl.BlockSpec((_F, 1), lambda i: (0, 0)),
        ],
        out_specs=pl.BlockSpec((_TW * _D, _B), lambda i: (i, 0)),
        out_shape=jax.ShapeDtypeStruct((_B * _D, _B), jnp.float32),
    )(half_cross, xt, wcol)

    return out2.reshape(_B, _D, _B).transpose(0, 2, 1)

# --- scband reference (transcript-rebuilt; emitter-appended) ---
"""Pipeline reference for scband-fm-70909910057334 (READ-ONLY COPY).

The authoritative reference and input builder live on the scoring server;
editing this copy changes nothing except your own understanding.
"""

import jax, jax.numpy as jnp
import numpy as np

NUM_FIELDS = 100
EMBED_DIM = 16
BATCH = 1024


def setup_inputs(seed: int = 0) -> dict:
    key = jax.random.key(seed)
    k1, k2, k3 = jax.random.split(key, 3)
    x = jax.random.randint(k1, (BATCH, NUM_FIELDS), 0, NUM_FIELDS).astype(jnp.int32)
    emb_table = jax.random.normal(k2, (NUM_FIELDS, EMBED_DIM), dtype=jnp.float32)
    linear_weights = jax.random.normal(k3, (NUM_FIELDS,), dtype=jnp.float32)
    return {"x": x, "emb_table": emb_table, "linear_weights": linear_weights}


def reference(x, emb_table, linear_weights):
    # embeddings = self.embeddings(x) -> [B, F, D]
    embeddings = jnp.take(emb_table, x, axis=0)
    # linear_part = sum(linear_weights * x, dim=1, keepdim=True) -> [B, 1]
    linear_part = jnp.sum(linear_weights * x.astype(jnp.float32), axis=1, keepdims=True)
    # square_of_sum -> [B, 1, D]
    square_of_sum = jnp.square(jnp.sum(embeddings, axis=1, keepdims=True))
    sum_of_square = jnp.sum(jnp.square(embeddings), axis=1, keepdims=True)
    cross_part = 0.5 * (square_of_sum - sum_of_square)
    # NOTE: faithful to the torch module: [B,1] + [B,1,D] broadcasts to [B,B,D]
    total = linear_part + cross_part
    return jax.nn.sigmoid(total)

if __name__ == "__main__":
    import jax
    _d = setup_inputs()
    print(jax.jit(kernel)(*tuple(_d.values())))

</pallas_src>

<mosaic_0001>
#map = affine_map<(d0, d1) -> (0, 0)>
#map1 = affine_map<(d0, d1) -> (0)>
module attributes {stable_mosaic.version = 14 : i64} {
  func.func @_sc_prep(%arg0: i32, %arg1: i32, %arg2: memref<1024x100xi32, #tpu.memory_space<hbm>>, %arg3: memref<100x128xf32, #tpu.memory_space<hbm>>, %arg4: memref<16384xf32, #tpu.memory_space<hbm>>, %arg5: memref<100xi32, #tpu.memory_space<vmem>>, %arg6: memref<100x128xf32, #tpu.memory_space<vmem>>, %arg7: memref<16xf32, #tpu.memory_space<vmem>>, %arg8: memref<16xf32, #tpu.memory_space<vmem>>, %arg9: memref<16xf32, #tpu.memory_space<vmem>>, %arg10: memref<!tpu.dma_semaphore, #tpu.memory_space<semaphore_mem>>) attributes {dimension_semantics = [#tpu.dimension_semantics<core_parallel>, #tpu.dimension_semantics<subcore_parallel>], iteration_bounds = array<i64: 2, 16>, scalar_prefetch = 0 : i64, scratch_operands = 6 : i64, tpu.core_type = #tpu.core_type<sc_vector_subcore>, window_params = [{transform_indices = #map}, {transform_indices = #map}, {transform_indices = #map1}]} {
    %mul3A = arith.constant 2 : i32
    %mul3A_0 = arith.muli %arg1, %mul3A : i32
    %add3A = arith.addi %mul3A_0, %arg0 : i32
    %mul3A_1 = arith.constant 32 : i32
    %mul3A_2 = arith.muli %add3A, %mul3A_1 : i32
    %scan3A = arith.constant 0 : i32
    %scan3A_3 = arith.constant 0 : i32
    %scan3A_4 = arith.constant 32 : i32
    %scan3A_5 = arith.addi %scan3A_3, %scan3A_4 : i32
    %scan3A_6 = arith.constant 1 : i32
    scf.for %scan3A_8 = %scan3A_3 to %scan3A_5 step %scan3A_6  : i32 {
      %add3A_9 = arith.addi %mul3A_2, %scan3A_8 : i32
      "tpu.region"() ({
        %run_scoped3A = tpu.sem_alloc : memref<!tpu.dma_semaphore, #tpu.memory_space<semaphore_mem>>
        %dma_start3A_49 = arith.constant 0 : i32
        %dma_start3A_50 = tpu.memref_slice %arg2[%add3A_9, %dma_start3A_49] : memref<1024x100xi32, #tpu.memory_space<hbm>> -> memref<1x100xi32, #tpu.memory_space<hbm>>
        %dma_start3A_51 = tpu.memref_squeeze %dma_start3A_50 : memref<1x100xi32, #tpu.memory_space<hbm>> -> memref<100xi32, #tpu.memory_space<hbm>>
        %dma_start3A_52 = arith.constant 0 : i32
        %dma_start3A_53 = tpu.memref_slice %arg2[%add3A_9, %dma_start3A_52] : memref<1024x100xi32, #tpu.memory_space<hbm>> -> memref<1x100xi32, #tpu.memory_space<hbm>>
        %dma_start3A_54 = tpu.memref_squeeze %dma_start3A_53 : memref<1x100xi32, #tpu.memory_space<hbm>> -> memref<100xi32, #tpu.memory_space<hbm>>
        tpu.enqueue_dma source(%dma_start3A_54 : memref<100xi32, #tpu.memory_space<hbm>>) target(%arg5 : memref<100xi32, #tpu.memory_space<vmem>>) target_semaphore(%run_scoped3A : memref<!tpu.dma_semaphore, #tpu.memory_space<semaphore_mem>>)
        %dma_wait3A_55 = arith.constant 0 : i32
        %dma_wait3A_56 = tpu.memref_slice %arg2[%add3A_9, %dma_wait3A_55] : memref<1024x100xi32, #tpu.memory_space<hbm>> -> memref<1x100xi32, #tpu.memory_space<hbm>>
        %dma_wait3A_57 = tpu.memref_squeeze %dma_wait3A_56 : memref<1x100xi32, #tpu.memory_space<hbm>> -> memref<100xi32, #tpu.memory_space<hbm>>
        %dma_wait3A_58 = arith.constant 0 : i32
        %dma_wait3A_59 = tpu.memref_slice %arg2[%add3A_9, %dma_wait3A_58] : memref<1024x100xi32, #tpu.memory_space<hbm>> -> memref<1x100xi32, #tpu.memory_space<hbm>>
        %dma_wait3A_60 = tpu.memref_squeeze %dma_wait3A_59 : memref<1x100xi32, #tpu.memory_space<hbm>> -> memref<100xi32, #tpu.memory_space<hbm>>
        tpu.wait_dma2 semaphore(%run_scoped3A : memref<!tpu.dma_semaphore, #tpu.memory_space<semaphore_mem>>) src(%dma_wait3A_60 : memref<100xi32, #tpu.memory_space<hbm>>) dst(%arg5 : memref<100xi32, #tpu.memory_space<vmem>>)
        tpu.yield
      }) : () -> ()
      %dma_start3A = arith.constant 0 : i32
      %dma_start3A_10 = arith.constant 0 : i32
      %dma_start3A_11 = tpu.memref_slice %arg3[%dma_start3A, %dma_start3A_10] : memref<100x128xf32, #tpu.memory_space<hbm>> -> memref<100x128xf32, #tpu.memory_space<hbm>>
      tpu.enqueue_indirect_dma source(%dma_start3A_11 : memref<100x128xf32, #tpu.memory_space<hbm>>) target(%arg6 : memref<100x128xf32, #tpu.memory_space<vmem>>) offsets(%arg5 : memref<100xi32, #tpu.memory_space<vmem>>) semaphore(%arg10 : memref<!tpu.dma_semaphore, #tpu.memory_space<semaphore_mem>>)
      %dma_wait3A = arith.constant 0 : i32
      %dma_wait3A_12 = arith.constant 0 : i32
      %dma_wait3A_13 = tpu.memref_slice %arg3[%dma_wait3A, %dma_wait3A_12] : memref<100x128xf32, #tpu.memory_space<hbm>> -> memref<100x128xf32, #tpu.memory_space<hbm>>
      tpu.wait_indirect_dma semaphore(%arg10 : memref<!tpu.dma_semaphore, #tpu.memory_space<semaphore_mem>>) src(%dma_wait3A_13 : memref<100x128xf32, #tpu.memory_space<hbm>>) dst(%arg6 : memref<100x128xf32, #tpu.memory_space<vmem>>)
      %broadcast_in_dim3A = arith.constant 0.000000e+00 : f32
      %broadcast_in_dim3A_14 = vector.broadcast %broadcast_in_dim3A : f32 to vector<16xf32>
      %swap3A = arith.constant 0 : index
      %swap3A_15 = tpu.vector_load %arg7[%swap3A] {strides = array<i32>} : memref<16xf32, #tpu.memory_space<vmem>>, vector<16xf32>,
      %swap3A_16 = vector.shape_cast %swap3A_15 : vector<16xf32> to vector<16xf32>
      %swap3A_17 = vector.shape_cast %broadcast_in_dim3A_14 : vector<16xf32> to vector<16xf32>
      tpu.vector_store %arg7[%swap3A], %swap3A_17 {strides = array<i32>} : memref<16xf32, #tpu.memory_space<vmem>>, vector<16xf32>,
      %broadcast_in_dim3A_18 = arith.constant 0.000000e+00 : f32
      %broadcast_in_dim3A_19 = vector.broadcast %broadcast_in_dim3A_18 : f32 to vector<16xf32>
      %swap3A_20 = arith.constant 0 : index
      %swap3A_21 = tpu.vector_load %arg8[%swap3A_20] {strides = array<i32>} : memref<16xf32, #tpu.memory_space<vmem>>, vector<16xf32>,
      %swap3A_22 = vector.shape_cast %swap3A_21 : vector<16xf32> to vector<16xf32>
      %swap3A_23 = vector.shape_cast %broadcast_in_dim3A_19 : vector<16xf32> to vector<16xf32>
      tpu.vector_store %arg8[%swap3A_20], %swap3A_23 {strides = array<i32>} : memref<16xf32, #tpu.memory_space<vmem>>, vector<16xf32>,
      %scan3A_24 = arith.constant 0 : i32
      %scan3A_25 = arith.constant 0 : i32
      %scan3A_26 = arith.constant 100 : i32
      %scan3A_27 = arith.addi %scan3A_25, %scan3A_26 : i32
      %scan3A_28 = arith.constant 1 : i32
      scf.for %scan3A_49 = %scan3A_25 to %scan3A_27 step %scan3A_28  : i32 {
        %get3A_50 = arith.constant 0 : index
        %get3A_51 = tpu.vector_load %arg7[%get3A_50] {strides = array<i32>} : memref<16xf32, #tpu.memory_space<vmem>>, vector<16xf32>,
        %get3A_52 = vector.shape_cast %get3A_51 : vector<16xf32> to vector<16xf32>
        %get3A_53 = arith.index_cast %scan3A_49 : i32 to index
        %get3A_54 = arith.constant 0 : index
        %get3A_55 = tpu.vector_load %arg6[%get3A_53, %get3A_54] {strides = array<i32>} : memref<100x128xf32, #tpu.memory_space<vmem>>, vector<1x16xf32>,
        %get3A_56 = vector.shape_cast %get3A_55 : vector<1x16xf32> to vector<16xf32>
        %add3A_57 = arith.addf %get3A_52, %get3A_56 : vector<16xf32>
        %swap3A_58 = arith.constant 0 : index
        %swap3A_59 = tpu.vector_load %arg7[%swap3A_58] {strides = array<i32>} : memref<16xf32, #tpu.memory_space<vmem>>, vector<16xf32>,
        %swap3A_60 = vector.shape_cast %swap3A_59 : vector<16xf32> to vector<16xf32>
        %swap3A_61 = vector.shape_cast %add3A_57 : vector<16xf32> to vector<16xf32>
        tpu.vector_store %arg7[%swap3A_58], %swap3A_61 {strides = array<i32>} : memref<16xf32, #tpu.memory_space<vmem>>, vector<16xf32>,
        %get3A_62 = arith.constant 0 : index
        %get3A_63 = tpu.vector_load %arg8[%get3A_62] {strides = array<i32>} : memref<16xf32, #tpu.memory_space<vmem>>, vector<16xf32>,
        %get3A_64 = vector.shape_cast %get3A_63 : vector<16xf32> to vector<16xf32>
        %get3A_65 = arith.index_cast %scan3A_49 : i32 to index
        %get3A_66 = arith.constant 16 : index
        %get3A_67 = tpu.vector_load %arg6[%get3A_65, %get3A_66] {strides = array<i32>} : memref<100x128xf32, #tpu.memory_space<vmem>>, vector<1x16xf32>,
        %get3A_68 = vector.shape_cast %get3A_67 : vector<1x16xf32> to vector<16xf32>
        %add3A_69 = arith.addf %get3A_64, %get3A_68 : vector<16xf32>
        %swap3A_70 = arith.constant 0 : index
        %swap3A_71 = tpu.vector_load %arg8[%swap3A_70] {strides = array<i32>} : memref<16xf32, #tpu.memory_space<vmem>>, vector<16xf32>,
        %swap3A_72 = vector.shape_cast %swap3A_71 : vector<16xf32> to vector<16xf32>
        %swap3A_73 = vector.shape_cast %add3A_69 : vector<16xf32> to vector<16xf32>
        tpu.vector_store %arg8[%swap3A_70], %swap3A_73 {strides = array<i32>} : memref<16xf32, #tpu.memory_space<vmem>>, vector<16xf32>,
      }
      %scan3A_29 = arith.constant 100 : i32
      %get3A = arith.constant 0 : index
      %get3A_30 = tpu.vector_load %arg7[%get3A] {strides = array<i32>} : memref<16xf32, #tpu.memory_space<vmem>>, vector<16xf32>,
      %get3A_31 = vector.shape_cast %get3A_30 : vector<16xf32> to vector<16xf32>
      %mul3A_32 = arith.mulf %get3A_31, %get3A_31 : vector<16xf32>
      %mul3A_33 = arith.constant 2.500000e-01 : f32
      %mul3A_34 = vector.broadcast %mul3A_33 : f32 to vector<16xf32>
      %mul3A_35 = arith.mulf %mul3A_34, %mul3A_32 : vector<16xf32>
      %get3A_36 = arith.constant 0 : index
      %get3A_37 = tpu.vector_load %arg8[%get3A_36] {strides = array<i32>} : memref<16xf32, #tpu.memory_space<vmem>>, vector<16xf32>,
      %get3A_38 = vector.shape_cast %get3A_37 : vector<16xf32> to vector<16xf32>
      %mul3A_39 = arith.constant 2.500000e-01 : f32
      %mul3A_40 = vector.broadcast %mul3A_39 : f32 to vector<16xf32>
      %mul3A_41 = arith.mulf %mul3A_40, %get3A_38 : vector<16xf32>
      %sub3A = arith.subf %mul3A_35, %mul3A_41 : vector<16xf32>
      %swap3A_42 = arith.constant 0 : index
      %swap3A_43 = tpu.vector_load %arg9[%swap3A_42] {strides = array<i32>} : memref<16xf32, #tpu.memory_space<vmem>>, vector<16xf32>,
      %swap3A_44 = vector.shape_cast %swap3A_43 : vector<16xf32> to vector<16xf32>
      %swap3A_45 = vector.shape_cast %sub3A : vector<16xf32> to vector<16xf32>
      tpu.vector_store %arg9[%swap3A_42], %swap3A_45 {strides = array<i32>} : memref<16xf32, #tpu.memory_space<vmem>>, vector<16xf32>,
      %add3A_46 = arith.addi %mul3A_2, %scan3A_8 : i32
      %mul3A_47 = arith.constant 16 : i32
      %mul3A_48 = arith.muli %add3A_46, %mul3A_47 : i32
      "tpu.region"() ({
        %run_scoped3A = tpu.sem_alloc : memref<!tpu.dma_semaphore, #tpu.memory_space<semaphore_mem>>
        %dma_start3A_49 = tpu.memref_slice %arg4[%mul3A_48] : memref<16384xf32, #tpu.memory_space<hbm>> -> memref<16xf32, #tpu.memory_space<hbm>>
        %dma_start3A_50 = tpu.memref_slice %arg4[%mul3A_48] : memref<16384xf32, #tpu.memory_space<hbm>> -> memref<16xf32, #tpu.memory_space<hbm>>
        tpu.enqueue_dma source(%arg9 : memref<16xf32, #tpu.memory_space<vmem>>) target(%dma_start3A_50 : memref<16xf32, #tpu.memory_space<hbm>>) target_semaphore(%run_scoped3A : memref<!tpu.dma_semaphore, #tpu.memory_space<semaphore_mem>>)
        %dma_wait3A_51 = tpu.memref_slice %arg4[%mul3A_48] : memref<16384xf32, #tpu.memory_space<hbm>> -> memref<16xf32, #tpu.memory_space<hbm>>
        %dma_wait3A_52 = tpu.memref_slice %arg4[%mul3A_48] : memref<16384xf32, #tpu.memory_space<hbm>> -> memref<16xf32, #tpu.memory_space<hbm>>
        tpu.wait_dma2 semaphore(%run_scoped3A : memref<!tpu.dma_semaphore, #tpu.memory_space<semaphore_mem>>) src(%arg9 : memref<16xf32, #tpu.memory_space<vmem>>) dst(%dma_wait3A_52 : memref<16xf32, #tpu.memory_space<hbm>>)
        tpu.yield
      }) : () -> ()
    }
    %scan3A_7 = arith.constant 32 : i32
    return
  }
}

module attributes {stable_mosaic.version = 14 : i64} {
  func.func @_writer_kernel(%arg0: i32, %arg1: memref<1024x1xf32, #tpu.memory_space<vmem>>, %arg2: memref<100x1024xf32, #tpu.memory_space<vmem>>, %arg3: memref<100x1xf32, #tpu.memory_space<vmem>>, %arg4: memref<1024x1024xf32, #tpu.memory_space<vmem>>) attributes {dimension_semantics = [#tpu.dimension_semantics<arbitrary>], iteration_bounds = array<i64: 16>, scalar_prefetch = 0 : i64, scratch_operands = 0 : i64, tpu.core_type = #tpu.core_type<tc>, window_params = [{transform_indices = @transform_0, window_bounds = array<i64: 1024, 1>}, {pipeline_mode = #tpu.pipeline_mode<synchronous>, transform_indices = @transform_1, window_bounds = array<i64: 100, 1024>}, {pipeline_mode = #tpu.pipeline_mode<synchronous>, transform_indices = @transform_2, window_bounds = array<i64: 100, 1>}, {transform_indices = @transform_3, window_bounds = array<i64: 1024, 1024>}]} {
    %get3A = arith.constant 0 : index
    %get3A_0 = arith.constant 0 : index
    %get3A_1 = vector.load %arg3[%get3A, %get3A_0] : memref<100x1xf32, #tpu.memory_space<vmem>>, vector<100x1xf32>
    %get3A_2 = arith.constant 0 : index
    %get3A_3 = arith.constant 0 : index
    %get3A_4 = vector.load %arg2[%get3A_2, %get3A_3] : memref<100x1024xf32, #tpu.memory_space<vmem>>, vector<100x1024xf32>
    %mul3A = vector.broadcast %get3A_1 : vector<100x1xf32> to vector<100x1024xf32>
    %mul3A_5 = arith.mulf %mul3A, %get3A_4 : vector<100x1024xf32>
    %reduce_sum3A = arith.constant dense<0.000000e+00> : vector<1024xf32>
    %reduce_sum3A_6 = vector.multi_reduction <add>, %mul3A_5, %reduce_sum3A [0] : vector<100x1024xf32> to vector<1024xf32>
    %broadcast_in_dim3A = vector.shape_cast %reduce_sum3A_6 : vector<1024xf32> to vector<1x1024xf32>
    %get3A_7 = arith.constant 0 : index
    %get3A_8 = arith.constant 0 : index
    %get3A_9 = vector.load %arg1[%get3A_7, %get3A_8] : memref<1024x1xf32, #tpu.memory_space<vmem>>, vector<1024x1xf32>
    %mul3A_10 = arith.constant 5.000000e-01 : f32
    %mul3A_11 = vector.broadcast %mul3A_10 : f32 to vector<1x1024xf32>
    %mul3A_12 = arith.mulf %mul3A_11, %broadcast_in_dim3A : vector<1x1024xf32>
    %add3A = vector.broadcast %get3A_9 : vector<1024x1xf32> to vector<1024x1024xf32>
    %add3A_13 = vector.broadcast %mul3A_12 : vector<1x1024xf32> to vector<1024x1024xf32>
    %add3A_14 = arith.addf %add3A, %add3A_13 : vector<1024x1024xf32>
    %tanh3A = math.tanh %add3A_14 : vector<1024x1024xf32>
    %mul3A_15 = arith.constant 5.000000e-01 : f32
    %mul3A_16 = vector.broadcast %mul3A_15 : f32 to vector<1024x1024xf32>
    %mul3A_17 = arith.mulf %mul3A_16, %tanh3A : vector<1024x1024xf32>
    %add3A_18 = arith.constant 5.000000e-01 : f32
    %add3A_19 = vector.broadcast %add3A_18 : f32 to vector<1024x1024xf32>
    %add3A_20 = arith.addf %mul3A_17, %add3A_19 : vector<1024x1024xf32>
    %swap3A = arith.constant 0 : index
    %swap3A_21 = arith.constant 0 : index
    %swap3A_22 = vector.load %arg4[%swap3A, %swap3A_21] : memref<1024x1024xf32, #tpu.memory_space<vmem>>, vector<1024x1024xf32>
    tpu.vector_store %arg4[%swap3A, %swap3A_21], %add3A_20 {strides = array<i32>} : memref<1024x1024xf32, #tpu.memory_space<vmem>>, vector<1024x1024xf32>,
    return
  }
  func.func @transform_0(%arg0: i32) -> (i32, i32) {
    %c0_i32 = arith.constant 0 : i32
    %c0_i32_0 = arith.constant 0 : i32
    return %arg0, %c0_i32 : i32, i32
  }
  func.func @transform_1(%arg0: i32) -> (i32, i32) {
    %c0_i32 = arith.constant 0 : i32
    %c0_i32_0 = arith.constant 0 : i32
    %c0_i32_1 = arith.constant 0 : i32
    return %c0_i32, %c0_i32_0 : i32, i32
  }
  func.func @transform_2(%arg0: i32) -> (i32, i32) {
    %c0_i32 = arith.constant 0 : i32
    %c0_i32_0 = arith.constant 0 : i32
    %c0_i32_1 = arith.constant 0 : i32
    return %c0_i32, %c0_i32_0 : i32, i32
  }
  func.func @transform_3(%arg0: i32) -> (i32, i32) {
    %c0_i32 = arith.constant 0 : i32
    %c0_i32_0 = arith.constant 0 : i32
    return %arg0, %c0_i32 : i32, i32
  }
}

</mosaic_0001>

<sc_bundles>
// kernel: kernel.4.cloned.1.call-start
scs
__scs_entry_jumppad:
0x0: {  	(pc) =	sbr.rel $0x88, $3  }
0x1: {  	(tag) =	ssettag $0x0;
	lr =	simm.s32 $0x1  }
0x2: {  	[smem:$0x3F9E] =	sst lr;
	_ =	strace $0xD0000000  }
0x3: {  	_ = 	snop  }
0x4: {  	_ = 	snop  }
0x5: {  	_ = 	snop  }
0x6: {  	_ = 	snop  }
0x7: {  	_ = 	snop  }
__scs_overlays_trampoline_lowered:
0x8: {  	[smem:$0x3FAD] =	sst s0  }
0x9: {  	[smem:$0x3FAE] =	sst s1  }
0xa: {  	[smem:$0x3FAF] =	sst s2  }
0xb: {  	[smem:$0x3FB0] =	sst s3  }
0xc: {  	[smem:$0x3FB1] =	sst s4  }
0xd: {  	[smem:$0x3FB2] =	sst s5  }
0xe: {  	[smem:$0x3FB3] =	sst s6  }
0xf: {  	[smem:$0x3FB4] =	sst s7  }
0x10: {  	[smem:$0x3FB5] =	sst s8  }
0x11: {  	[smem:$0x3FB6] =	sst s9;
	s0 =	simm.s32 @!p0 $0x0  }
0x12: {  	s1 =	sld [smem:$0x3F9C];
	s0 =	simm.s32 @p0 $0x1  }
0x13: {  	[smem:$0x3FB7] =	sst s0;
	s0 =	simm.s32 @!p1 $0x0  }
0x14: {  	s2 =	sld [smem:$0x3F9B];
	s0 =	simm.s32 @p1 $0x1  }
0x15: {  	[smem:$0x3FB8] =	sst s0;
	s0 =	simm.s32 @!p2 $0x0  }
0x16: {  	s3 =	sld [smem:$0x3FDB];
	s0 =	simm.s32 @p2 $0x1  }
0x17: {  	s4 =	simm.s32 $0x1BF5;
	[smem:$0x3FBA] =	sst s0  }
0x18: {  	s0 =	sld [smem:$0x3F9D];
	_ =	swait.ge [sflag:s4], $0x0  }
0x19: {  	s7 =	sld [smem:$0x3F9E]  }
0x1a: {  	s8 =	sadd.s32 $0xFFFFE003, lr  }
0x1b: {  	s9 =	sadd.s32 $0xFFFFFEF7, lr;
	s5 =	simm.s32 $0xFFFFFFFF;
	p2 =	slt.u32 s8, $0xFFFFF086  }
0x1c: {  	p1 =	slt.u32 s9, $0xF7A;
	s5 =	simm.s32 @!p2 $0x0  }
0x1d: {  	s5 =	simm.s32 @p1 $0x1;
	p0 =	seq.s32 s7, s2  }
0x1e: {  	s7 =	smul.u32 @!p0 $0xF7A, s2;
	p2 =	seq.s32 @!p0 s5, $0x0  }
0x1f: {  	s9 =	smul.u32 $0xF7A, s1;
	s8 =	simm.s32 @!p0 $0x1BF5;
	p2 =	por !p2, p0  }
0x20: {  	[sflag:s8] =	ssyncset.s32 @!p0 $0xFFFFF086;
	s6 =	sadd.s32 @!p0 s3, s7;
	s7 =	simm.s32 @!p0 $0x108  }
0x21: {  	s3 =	sadd.s32 s3, s9;
	s6 =	sadd.s32 @!p0 $0x88, s6;
	s7 =	simm.s32 @p2 $0x1082  }
0x22: {  	[simem:s7], [sflag:s8] =	dma.local @!p0 [hbm:s6], $0xF7A  }
0x23: {  	s9 =	sor.u32 $0xD0000000, s2;
	s6 =	simm.s32 $0x108;
	_ =	swait.ge @!p0 [sflag:s8], $0x0  }
0x24: {  	s3 =	sadd.s32 $0x88, s3;
	s6 =	simm.s32 @!p1 $0x1082;
	[sflag:s4] =	ssyncset.s32 $0xFFFFF086  }
0x25: {  	[simem:s6], [sflag:s4] =	dma.local [hbm:s3], $0xF7A  }
0x26: {  	[smem:$0x3F9E] =	sst s1;
	(tag) =	ssettag s2;
	_ =	strace s9  }
0x27: {  	s1 =	sld [smem:$0x3FAE]  }
0x28: {  	s2 =	sld [smem:$0x3FAF]  }
0x29: {  	s4 =	sld [smem:$0x3FB1]  }
0x2a: {  	p0 =	seq.s32 s5, $0x0;
	s5 =	sld [smem:$0x3FB2]  }
0x2b: {  	s6 =	sld [smem:$0x3FB3]  }
0x2c: {  	s7 =	sld [smem:$0x3FB4]  }
0x2d: {  	s3 =	simm.s32 $0x108;
	s8 =	sld [smem:$0x3FB5]  }
0x2e: {  	s3 =	simm.s32 @!p0 $0x1082;
	s9 =	sld [smem:$0x3FB6]  }
0x2f: {  	lr =	sadd.s32 s0, s3;
	s0 =	sld [smem:$0x3FAD]  }
0x30: {  	s3 =	sld [smem:$0x3FB0]  }
0x31: {  	[smem:$0x3FB9] =	sst s10  }
0x32: {  	s10 =	sld [smem:$0x3FB7];
	_ =	sdelay $0x3  }
0x33: {  	p0 =	seq.s32 s10, $0x1;
	s10 =	sld [smem:$0x3FB9];
	_ =	sdelay $0x3  }
0x34: {  	[smem:$0x3FB9] =	sst s10  }
0x35: {  	s10 =	sld [smem:$0x3FB8];
	_ =	sdelay $0x3  }
0x36: {  	p1 =	seq.s32 s10, $0x1;
	s10 =	sld [smem:$0x3FB9];
	_ =	sdelay $0x3  }
0x37: {  	[smem:$0x3FB9] =	sst s10  }
0x38: {  	s10 =	sld [smem:$0x3FBA]  }
0x39: {  	_ = 	snop;
	(pc) =	sbr.ind lr, $3  }
0x3a: {  	_ = 	snop  }
0x3b: {  	_ = 	snop  }
0x3c: {  	p2 =	seq.s32 s10, $0x1;
	s10 =	sld [smem:$0x3FB9]  }
0x3d: {  	_ =	shalt  }
0x3e: {  	_ =	shalt  }
0x3f: {  	_ =	shalt  }
0x40: {  	_ =	shalt  }
0x41: {  	_ =	shalt  }
0x42: {  	_ =	shalt  }
0x43: {  	_ =	shalt  }
0x44: {  	_ =	shalt  }
0x45: {  	_ =	shalt  }
0x46: {  	_ =	shalt  }
0x47: {  	_ =	shalt  }
0x48: {  	_ =	shalt  }
0x49: {  	_ =	shalt  }
0x4a: {  	_ =	shalt  }
0x4b: {  	_ =	shalt  }
0x4c: {  	_ =	shalt  }
0x4d: {  	_ =	shalt  }
0x4e: {  	_ =	shalt  }
0x4f: {  	_ =	shalt  }
0x50: {  	_ =	shalt  }
0x51: {  	_ =	shalt  }
0x52: {  	_ =	shalt  }
0x53: {  	_ =	shalt  }
0x54: {  	_ =	shalt  }
0x55: {  	_ =	shalt  }
0x56: {  	_ =	shalt  }
0x57: {  	_ =	shalt  }
0x58: {  	_ =	shalt  }
0x59: {  	_ =	shalt  }
0x5a: {  	_ =	shalt  }
0x5b: {  	_ =	shalt  }
0x5c: {  	_ =	shalt  }
0x5d: {  	_ =	shalt  }
0x5e: {  	_ =	shalt  }
0x5f: {  	_ =	shalt  }
0x60: {  	_ =	shalt  }
0x61: {  	_ =	shalt  }
0x62: {  	_ =	shalt  }
0x63: {  	_ =	shalt  }
0x64: {  	_ =	shalt  }
0x65: {  	_ =	shalt  }
0x66: {  	_ =	shalt  }
0x67: {  	_ =	shalt  }
0x68: {  	_ =	shalt  }
0x69: {  	_ =	shalt  }
0x6a: {  	_ =	shalt  }
0x6b: {  	_ =	shalt  }
0x6c: {  	_ =	shalt  }
0x6d: {  	_ =	shalt  }
0x6e: {  	_ =	shalt  }
0x6f: {  	_ =	shalt  }
0x70: {  	_ =	shalt  }
0x71: {  	_ =	shalt  }
0x72: {  	_ =	shalt  }
0x73: {  	_ =	shalt  }
0x74: {  	_ =	shalt  }
0x75: {  	_ =	shalt  }
0x76: {  	_ =	shalt  }
0x77: {  	_ =	shalt  }
0x78: {  	_ =	shalt  }
0x79: {  	_ =	shalt  }
0x7a: {  	_ =	shalt  }
0x7b: {  	_ =	shalt  }
0x7c: {  	_ =	shalt  }
0x7d: {  	_ =	shalt  }
0x7e: {  	_ =	shalt  }
0x7f: {  	_ =	shalt  }
0x80: {  	_ =	shalt  }
0x81: {  	_ =	shalt  }
0x82: {  	_ =	shalt  }
0x83: {  	_ =	shalt  }
0x84: {  	_ =	shalt  }
0x85: {  	_ =	shalt  }
0x86: {  	_ =	shalt  }
0x87: {  	_ =	shalt  }
.Lfunc_end0:
.L_simem_size_0:
called_computation_lowered:
.L_overlay_start_0:
0x88: {  	s2 =	sld [smem:$0x3FD9]  }
0x89: {  	s3 =	sld [smem:$0x3FFE];
	_ =	sdelay $0x1  }
0x8a: {  	s1 =	srdreg.scid  }
0x8b: {  	s0 =	sand.u32 $0x1, s1  }
0x8c: {  	s17 =	sshll.u32 s0, $0xA;
	s2 =	sadd.s32 s3, s2  }
0x8d: {  	s2 =	sadd.s32 s2, s17  }
0x8e: {  	[smem:$0x3FC5] =	sst s2  }
0x8f: {  	_ = 	snop  }
0x90: {  	s2 =	sld [smem:$0x3FD0];
	(tm) =	ssettm $0x1  }
0x91: {  	s18 =	sld [smem:$0x3FFB];
	_ =	sdelay $0x3  }
0x92: {  	_ =	strace s18  }
0x93: {  	s3 =	sld [smem:$0x3FFC];
	_ =	sdelay $0x3  }
0x94: {  	_ =	strace s3  }
0x95: {  	s3 =	sld [smem:$0x3FFD];
	_ =	sdelay $0x3  }
0x96: {  	_ =	strace s3  }
0x97: {  	_ =	strace $0x8FFFFFFF  }
0x98: {  	s19 =	sld [smem:$0x3FDB];
	_ =	sdelay $0x1  }
0x99: {  	s4 =	simm.s32 $_scs_section_size  }
0x9a: {  	s5 =	simm.s32 $_size__tile_overlayer_lowered;
	s6 =	simm.s32 $_tile_overlayer_lowered  }
0x9b: {  	s22 =	simm.s32 $0x1BFF;
	s21 =	sshll.u32 s6, $0x1;
	s3 =	sadd.s32 s4, s19  }
0x9c: {  	s7 =	simm.s32 $0x0;
	s20 =	sshll.u32 s5, $0x1;
	s5 =	sadd.s32 s21, s3  }
0x9d: {  	[timem:s7], [sflag:s22] =	dma.local [hbm:s5], s20  }
0x9e: {  	_ =	swait.ge [sflag:s22], s20  }
0x9f: {  	s4 =	ssub.s32 $0x0, s20;
	[sflag:s22] =	ssyncset.done $0x0  }
0xa0: {  	[sflag:s22] =	ssyncadd.s32 s4;
	_ =	sdelay $0x1  }
0xa1: {  	s23 =	simm.s32 $0x1B8B  }
0xa2: {  	_ =	swait.ge [sflag:s23], $0x1  }
0xa3: {  	[sflag:s23] =	ssyncset.done $0x0  }
0xa4: {  	s25 =	simm.s32 $0x1B8E;
	s24 =	sld [smem:$0x3FFE];
	[sflag:s23] =	ssyncadd.s32 $0xFFFFFFFF  }
0xa5: {  	s26 =	simm.s32 $execute0_lowered;
	[smem:$0x3FD2] =	sst s25  }
0xa6: {  	s5 =	sshll.u32 s26, $0x1;
	_ =	strace $0x80000046;
	[dreg:$0x1] =	wrdreg $0xFFFFFFFF  }
0xa7: {  	s28 =	simm.s32 $_size_execute0_lowered;
	s3 =	sadd.s32 s3, s5;
	[dreg:$0x0] =	wrdreg $0x0  }
0xa8: {  	s5 =	sshll.u32 s28, $0x1;
	[dreg:$0x2] =	wrdreg s3  }
0xa9: {  	[dreg:$0x3] =	wrdreg s5  }
0xaa: {  	[dreg:$0x4] =	wrdreg $0xC0  }
0xab: {  	_ =	task [dreg:s7], $0x5FFFF  }
0xac: {  	[dreg:$0x1] =	wrdreg $0xFFFFFFFF  }
0xad: {  	[dreg:$0x0] =	wrdreg $0x60  }
0xae: {  	[dreg:$0x2] =	wrdreg s2  }
0xaf: {  	[dreg:$0x3] =	wrdreg s24  }
0xb0: {  	[dreg:$0x4] =	wrdreg $0x9  }
0xb1: {  	_ =	task.clear_ibuf [dreg:s7], $0x5FFFF;
	_ =	strace $0x90000046  }
0xb2: {  	s29 =	simm.s32 $0x9;
	_ =	strace $0x80000048  }
0xb3: {  	_ =	swait.ge [sflag:s29], $0x1  }
0xb4: {  	[sflag:s29] =	ssyncadd.s32 $0xFFFFFFFF  }
0xb5: {  	_ =	strace $0x90000048  }
0xb6: {  	_ =	sfence  }
0xb7: {  	s30 =	sld [smem:$0x0];
	_ =	sdelay $0x2  }
0xb8: {  	s31 =	sshll.u32 s1, $0xD;
	s1 =	sshrl.u32 s1, $0x2  }
0xb9: {  	s3 =	sand.u32 $0x4000, s31;
	s1 =	sadd.s32 s1, s30  }
0xba: {  	s0 =	sor.u32 s3, s0;
	s1 =	sshll.u32 s1, $0x11  }
0xbb: {  	s0 =	sor.u32 s1, s0  }
0xbc: {  	s0 =	sadd.s32 $0x8F2B, s0  }
0xbd: {  	[sflag:s0] =	ssyncadd.remote.s32 $0x1  }
0xbe: {  	_ =	sfence.sel $0xFFFF  }
0xbf: {  	[dreg:$0x0] =	wrdreg $0xFFFFFFFF;
	(pc) =	sbr.abs _section_cstart, $3  }
0xc0: {  	[dreg:$0x1] =	wrdreg $0xFFFFFFFF  }
0xc1: {  	_ =	task.clear_ibuf [dreg:s7], $0x2FFFF;
	_ =	strace $0x9FFFFFFF  }
0xc2: {  	(tm) =	ssettm $0x7FFFFFFF  }
0xc3: {  	_ =	shalt  }
tec
execute0_lowered:
.L_overlay_start_1:
0x0: {  	(tag) =	ssettag $0x1  }
0x1: {  	s1 =	rddreg [dreg:$0x0]  }
0x2: {  	s5 =	rddreg [dreg:$0x1]  }
0x3: {  	s0 =	rddreg [dreg:$0x2]  }
0x4: {  	s2 =	simm.s32 $0x0;
	s3 =	srdreg.scid;
	s9 =	simm.s32 $0x64  }
0x5: {  	s10 =	simm.s32 $0x80;
	s11 =	simm.s32 $0x1;
	s12 =	simm.s32 $0x3580  }
0x6: {  	s13 =	simm.s32 $0x0;
	[smem:$0x7FF] =	sst s2;
	s6 =	sand.u32 $0x1, s3  }
0x7: {  	s4 =	sadd.s32 $0x400, s5;
	s3 =	stileid.u32;
	s7 =	ssub.s32 $0x2, s6  }
0x8: {  	s5 =	sadd.s32 $0xC00, s5;
	_ =	strace $0x80000047;
	s8 =	sshrl.u32 s7, $0x1  }
0x9: {  	s31 =	sshll.u32 s3, $0x6;
	s6 =	sshll.u32 s6, $0x5;
	s7 =	ssub.s32 s7, s8  }
0xa: {  	v0 =	vimm.f32 $0.0e+00;
	s6 =	sor.u32 s6, s31;
	s8 =	simm.s32 $0x2;
	s7 =	smax.u32 s7, $0x1  }
.LBB2_1:
0xb: {  	s14 =	simm.s32 $0x0  }
.LBB2_2:
0xc: {  	s15 =	sadd.s32 s6, s14;
	s16 =	sshll.u32 s14, $0x4  }
0xd: {  	s17 =	sshll.u32 s15, $0x4;
	s16 =	sand.u32 $0x70, s16  }
0xe: {  	s17 =	sand.u32 $0x3F80, s17;
	s16 =	sadd.s32 s1, s16  }
0xf: {  	s31 =	simm.s32 $0x0;
	s16 =	sadd.s32 s17, s16  }
0x10: {  	[tilespmem:s31], [sflag:$0x2] =	stream.linear.gather [hbm4b:s16+s31], $0x80, $0x38;
	[tilespmem:$0x3600] =	vst v63  }
0x11: {  	_ =	swait.ge [sflag:s8], $0x80  }
0x12: {  	[sflag:s8] =	ssyncset.done $0x0  }
0x13: {  	[sflag:s8] =	ssyncadd.s32 $0xFFFFFF80  }
0x14: {  	[tilespmem:s10], [sflag:$0x1] =	stream.indirect.gather [hbm4b:s4+s9], $0x80, s31, s9, $0xb8;
	[tilespmem:$0x3600] =	vst v63  }
0x15: {  	_ =	swait.ge [sflag:s11], $0x3200  }
0x16: {  	[sflag:s11] =	ssyncset.done $0x0  }
0x17: {  	[sflag:s11] =	ssyncadd.s32 $0xFFFFCE00  }
0x18: {  	[tilespmem:$0x3480] =	vst v0  }
0x19: {  	s17 =	simm.s32 $0x0;
	s16 =	simm.s32 $0x200;
	[tilespmem:$0x3500] =	vst v0;
	v1 =	vld [tilespmem:$0x3480]  }
.LBB2_3:
0x1a: {  	p0 =	sne.s32 s16, $0xC600;
	v2 =	vld [tilespmem:s17+$0x80];
	_ =	sdelay $0x4  }
0x1b: {  	v1 =	vadd.f32 v2, v1;
	_ =	sdelay $0x1  }
0x1c: {  	[tilespmem:$0x3480] =	vst v1;
	v1 =	vld [tilespmem:$0x3500]  }
0x1d: {  	v2 =	vld [tilespmem:s17+$0x90];
	_ =	sdelay $0x2  }
.Ltmp0:
0x1e: {  	(pc) =	sbr.rel @p0 .LBB2_3-.Ltmp0, $3  }
0x1f: {  	_ = 	snop  }
0x20: {  	v2 =	vadd.f32 v2, v1;
	_ =	sdelay $0x1  }
0x21: {  	s17 =	sshra.s32 s16, $0x2;
	s16 =	sadd.s32 $0x200, s16;
	v1 =	vld [tilespmem:$0x3480];
	[tilespmem:$0x3500] =	vst v2  }
0x22: {  	v2 =	vld [tilespmem:s17+$0x80];
	_ =	sdelay $0x4  }
0x23: {  	v1 =	vadd.f32 v2, v1;
	_ =	sdelay $0x1  }
0x24: {  	[tilespmem:$0x3480] =	vst v1;
	v1 =	vld [tilespmem:$0x3500]  }
0x25: {  	v2 =	vld [tilespmem:s17+$0x90]  }
0x26: {  	v3 =	vld [tilespmem:$0x3480];
	_ =	sdelay $0x4  }
0x27: {  	v1 =	vadd.f32 v2, v1;
	v2 =	vmul.f32 v3, v3;
	_ =	sdelay $0x1  }
0x28: {  	v2 =	vmul.f32 $2.500000000e-01, v2;
	v3 =	vmul.f32 $2.500000000e-01, v1;
	_ =	sdelay $0x1  }
0x29: {  	s14 =	sadd.s32 $0x1, s14;
	v2 =	vsub.f32 v2, v3  }
0x2a: {  	s15 =	sshll.u32 s15, $0x1;
	p0 =	sne.s32 s14, $0x20;
	[tilespmem:$0x3500] =	vst v1  }
.Ltmp1:
0x2b: {  	s15 =	sadd.s32 s5, s15;
	[tilespmem:$0x3580] =	vst v2;
	(pc) =	sbr.rel @p0 .LBB2_2-.Ltmp1, $4  }
0x2c: {  	[hbm4b:s15+s2] =	stream.linear.scatter [tilespmem:s12], [sflag:$0x2], $0x10, $0x38;
	[tilespmem:$0x3600] =	vst v63  }
0x2d: {  	_ =	swait.ge [sflag:s8], $0x10  }
0x2e: {  	[sflag:s8] =	ssyncset.done $0x0  }
0x2f: {  	[sflag:s8] =	ssyncadd.s32 $0xFFFFFFF0  }
0x30: {  	s13 =	sadd.s32 $0x1, s13  }
0x31: {  	p0 =	sne.s32 s13, s7  }
.Ltmp2:
0x32: {  	_ = 	snop;
	(pc) =	sbr.rel @p0 .LBB2_1-.Ltmp2, $1  }
0x33: {  	_ =	sdelay $0x3  }
0x34: {  	_ =	sfence.sel $0x180000  }
0x35: {  	[bflag:$0x0] =	sbarrier.arrive $0xFFFF  }
0x36: {  	p0 =	sne.s32 s3, $0x0;
	_ =	strace $0x90000047  }
0x37: {  	s0 =	sadd.s32 @!p0 $0x100000, s0;
	[bflag:$0x2] =	sbarrier.arrive $0xFFFF  }
0x38: {  	[sflag:s0] =	ssyncadd.tile.s32 @!p0 $0x1;
	_ =	shalt  }
.Lfunc_end2:
_tile_overlayer_lowered:
.L_overlay_start_2:
0x39: {  	(tag) =	ssettag $0x2  }
0x3a: {  	s0 =	rddreg [dreg:$0x0];
	s2 =	stileid.u32  }
0x3b: {  	s1 =	rddreg [dreg:$0x1];
	p0 =	sne.s32 s2, $0x0  }
0x3c: {  	s3 =	rddreg [dreg:$0x2];
	[bflag:$0x3] =	sbarrier.arrive $0xFFFF;
	s2 =	simm.s32 @!p0 $0x1C02  }
0x3d: {  	[timem:s3], [sflag:s2] =	dma.local @!p0 [hbm:s0], s1  }
0x3e: {  	s0 =	simm.s32 @!p0 $0x2  }
0x3f: {  	_ =	swait.ge @!p0 [sflag:s0], s1  }
0x40: {  	s1 =	ssub.s32 @!p0 $0x0, s1;
	[sflag:s0] =	ssyncset.done @!p0 $0x0  }
0x41: {  	[sflag:s0] =	ssyncadd.s32 @!p0 s1  }
0x42: {  	[bflag:$0x3] =	sbarrier.arrive $0xFFFF  }
0x43: {  	_ =	shalt  }

</sc_bundles>
